<compile_context>
chip_gen: v7x
topology: tpu7x:2x2x1
jax: 0.10.2.dev20260603
libtpu: 0.0.44.dev20260713+nightly
codegen_flags: <defaults>
</compile_context>

<pallas_src>
import functools

import jax
import jax.numpy as jnp
from jax import lax
from jax.experimental import pallas as pl
from jax.experimental.pallas import tpu as pltpu
from jax.experimental.pallas import tpu_sc as plsc

NUM_FIELDS = 26
VOCAB = 100000
EMB_DIM = 32
BATCH = 16384

N_TROWS = NUM_FIELDS * EMB_DIM
NW = 32
LANES = 16
R_PER_W = N_TROWS // NW
OUT_CHUNK = 8192
N_OCHUNK = BATCH // OUT_CHUNK

_mesh = plsc.VectorSubcoreMesh(core_axis_name="c", subcore_axis_name="s")


@functools.partial(
    pl.kernel,
    out_type=jax.ShapeDtypeStruct(
        (N_TROWS // 8, BATCH // 128, 8, 128), jnp.float32
    ),
    mesh=_mesh,
    scratch_types=[
        pltpu.VMEM((VOCAB,), jnp.float32),
        pltpu.VMEM((BATCH,), jnp.int32),
        pltpu.VMEM((OUT_CHUNK // 128, 128), jnp.float32),
        pltpu.SemaphoreType.DMA,
    ],
    compiler_params=pltpu.CompilerParams(
        use_tc_tiling_on_sc=False, needs_layout_passes=False
    ),
)
def _gather_kernel(tt_hbm, xt_hbm, out_hbm, row_v, xb_v, ob_v, sem):
    wid = lax.axis_index("s") * 2 + lax.axis_index("c")
    r_base = wid * R_PER_W

    def _row_body(i_r, f_prev):
        r = r_base + i_r
        f = r // EMB_DIM

        @pl.when(f != f_prev)
        def _load_x():
            pltpu.sync_copy(xt_hbm.at[f], xb_v)

        pltpu.sync_copy(tt_hbm.at[r], row_v)

        g = r // 8
        rm = r % 8

        def _ochunk_body(oc, carry2):
            @plsc.parallel_loop(0, OUT_CHUNK // LANES, unroll=16)
            def _vec_body(i):
                xv = xb_v[pl.ds(oc * OUT_CHUNK + i * LANES, LANES)]
                cc = i // (128 // LANES)
                k = i % (128 // LANES)
                ob_v[cc, pl.ds(k * LANES, LANES)] = plsc.load_gather(row_v, [xv])

            pltpu.sync_copy(
                ob_v,
                out_hbm.at[g, pl.ds(oc * (OUT_CHUNK // 128), OUT_CHUNK // 128), rm],
            )
            return carry2

        lax.fori_loop(0, N_OCHUNK, _ochunk_body, 0)
        return f

    lax.fori_loop(0, R_PER_W, _row_body, jnp.int32(-1))


def kernel(x, tables):
    tt = tables.transpose(0, 2, 1).reshape(N_TROWS, VOCAB)
    xt = x.astype(jnp.int32).T
    out4 = _gather_kernel(tt, xt)
    return out4.transpose(1, 3, 0, 2).reshape(BATCH, NUM_FIELDS * EMB_DIM)

# --- scband reference (transcript-rebuilt; emitter-appended) ---
"""Pipeline reference for scband-embedding-model-51745765982332 (READ-ONLY COPY).

The authoritative reference and input builder live on the scoring server;
editing this copy changes nothing except your own understanding.
"""

import jax, jax.numpy as jnp
import numpy as np

NUM_FIELDS = 26
VOCAB = 100000
EMB_DIM = 32
BATCH = 16384


def setup_inputs(seed: int = 0) -> dict:
    key = jax.random.key(seed)
    k1, k2 = jax.random.split(key)
    x = jax.random.randint(k1, (BATCH, NUM_FIELDS), 0, VOCAB)
    # One embedding table per categorical field; all have identical (vocab, dim)
    # so we stack them into a single [NUM_FIELDS, VOCAB, EMB_DIM] parameter tensor.
    tables = jax.random.normal(k2, (NUM_FIELDS, VOCAB, EMB_DIM), dtype=jnp.float32) * 0.02
    return {"x": x, "tables": tables}


def reference(x, tables):
    # Faithful translation of:
    #   x = [emb_layer(x[:, i]) for i, emb_layer in enumerate(self.embeddings)]
    #   x = torch.cat(x, 1)
    embs = [tables[i][x[:, i]] for i in range(NUM_FIELDS)]
    return jnp.concatenate(embs, axis=1)

if __name__ == "__main__":
    import jax
    _d = setup_inputs()
    print(jax.jit(kernel)(*tuple(_d.values())))

</pallas_src>

<mosaic_0001>
#map = affine_map<(d0, d1) -> (0, 0)>
#map1 = affine_map<(d0, d1) -> (0, 0, 0, 0)>
module attributes {stable_mosaic.version = 14 : i64} {
  func.func @_gather_kernel(%arg0: i32, %arg1: i32, %arg2: memref<832x100000xf32, #tpu.memory_space<hbm>>, %arg3: memref<26x16384xi32, #tpu.memory_space<hbm>>, %arg4: memref<104x128x8x128xf32, #tpu.memory_space<hbm>>, %arg5: memref<100000xf32, #tpu.memory_space<vmem>>, %arg6: memref<16384xi32, #tpu.memory_space<vmem>>, %arg7: memref<64x128xf32, #tpu.memory_space<vmem>>, %arg8: memref<!tpu.dma_semaphore, #tpu.memory_space<semaphore_mem>>) attributes {dimension_semantics = [#tpu.dimension_semantics<core_parallel>, #tpu.dimension_semantics<subcore_parallel>], iteration_bounds = array<i64: 2, 16>, scalar_prefetch = 0 : i64, scratch_operands = 4 : i64, tpu.core_type = #tpu.core_type<sc_vector_subcore>, window_params = [{transform_indices = #map}, {transform_indices = #map}, {transform_indices = #map1}]} {
    %mul3A = arith.constant 2 : i32
    %mul3A_0 = arith.muli %arg1, %mul3A : i32
    %add3A = arith.addi %mul3A_0, %arg0 : i32
    %mul3A_1 = arith.constant 26 : i32
    %mul3A_2 = arith.muli %add3A, %mul3A_1 : i32
    %scan3A = arith.constant -1 : i32
    %scan3A_3 = arith.constant 0 : i32
    %scan3A_4 = arith.constant 26 : i32
    %scan3A_5 = arith.addi %scan3A_3, %scan3A_4 : i32
    %scan3A_6 = arith.constant 1 : i32
    %scan3A_7 = scf.for %scan3A_9 = %scan3A_3 to %scan3A_5 step %scan3A_6 iter_args(%scan3A_10 = %scan3A) -> (i32)  : i32 {
      %add3A_11 = arith.addi %mul3A_2, %scan3A_9 : i32
      %jit3A = arith.constant 32 : i32
      %div3A = arith.divsi %add3A_11, %jit3A : i32
      %sign3A = arith.constant 0 : i32
      %sign3A_12 = arith.cmpi sgt, %add3A_11, %sign3A : i32
      %sign3A_13 = arith.extui %sign3A_12 : i1 to i32
      %sign3A_14 = arith.constant 0 : i32
      %sign3A_15 = arith.cmpi slt, %add3A_11, %sign3A_14 : i32
      %sign3A_16 = arith.extui %sign3A_15 : i1 to i32
      %sign3A_17 = arith.subi %sign3A_13, %sign3A_16 : i32
      %sign3A_18 = arith.constant 0 : i32
      %sign3A_19 = arith.cmpi sgt, %jit3A, %sign3A_18 : i32
      %sign3A_20 = arith.extui %sign3A_19 : i1 to i32
      %sign3A_21 = arith.constant 0 : i32
      %sign3A_22 = arith.cmpi slt, %jit3A, %sign3A_21 : i32
      %sign3A_23 = arith.extui %sign3A_22 : i1 to i32
      %sign3A_24 = arith.subi %sign3A_20, %sign3A_23 : i32
      %ne3A = arith.cmpi ne, %sign3A_17, %sign3A_24 : i32
      %rem3A = arith.remsi %add3A_11, %jit3A : i32
      %ne3A_25 = arith.constant 0 : i32
      %ne3A_26 = arith.cmpi ne, %rem3A, %ne3A_25 : i32
      %and3A = arith.andi %ne3A, %ne3A_26 : i1
      %sub3A = arith.constant 1 : i32
      %sub3A_27 = arith.subi %div3A, %sub3A : i32
      %select_n3A = arith.select %and3A, %sub3A_27, %div3A : i32
      %ne3A_28 = arith.cmpi ne, %select_n3A, %scan3A_10 : i32
      %convert_element_type3A = arith.extui %ne3A_28 : i1 to i32
      %cond3A = arith.constant 0 : i32
      %cond3A_29 = arith.cmpi ne, %convert_element_type3A, %cond3A : i32
      scf.if %cond3A_29 {
        "tpu.region"() ({
          %run_scoped3A = tpu.sem_alloc : memref<!tpu.dma_semaphore, #tpu.memory_space<semaphore_mem>>
          %dma_start3A = arith.constant 0 : i32
          %dma_start3A_74 = tpu.memref_slice %arg3[%select_n3A, %dma_start3A] : memref<26x16384xi32, #tpu.memory_space<hbm>> -> memref<1x16384xi32, #tpu.memory_space<hbm>>
          %dma_start3A_75 = tpu.memref_squeeze %dma_start3A_74 : memref<1x16384xi32, #tpu.memory_space<hbm>> -> memref<16384xi32, #tpu.memory_space<hbm>>
          %dma_start3A_76 = arith.constant 0 : i32
          %dma_start3A_77 = tpu.memref_slice %arg3[%select_n3A, %dma_start3A_76] : memref<26x16384xi32, #tpu.memory_space<hbm>> -> memref<1x16384xi32, #tpu.memory_space<hbm>>
          %dma_start3A_78 = tpu.memref_squeeze %dma_start3A_77 : memref<1x16384xi32, #tpu.memory_space<hbm>> -> memref<16384xi32, #tpu.memory_space<hbm>>
          tpu.enqueue_dma source(%dma_start3A_78 : memref<16384xi32, #tpu.memory_space<hbm>>) target(%arg6 : memref<16384xi32, #tpu.memory_space<vmem>>) target_semaphore(%run_scoped3A : memref<!tpu.dma_semaphore, #tpu.memory_space<semaphore_mem>>)
          %dma_wait3A = arith.constant 0 : i32
          %dma_wait3A_79 = tpu.memref_slice %arg3[%select_n3A, %dma_wait3A] : memref<26x16384xi32, #tpu.memory_space<hbm>> -> memref<1x16384xi32, #tpu.memory_space<hbm>>
          %dma_wait3A_80 = tpu.memref_squeeze %dma_wait3A_79 : memref<1x16384xi32, #tpu.memory_space<hbm>> -> memref<16384xi32, #tpu.memory_space<hbm>>
          %dma_wait3A_81 = arith.constant 0 : i32
          %dma_wait3A_82 = tpu.memref_slice %arg3[%select_n3A, %dma_wait3A_81] : memref<26x16384xi32, #tpu.memory_space<hbm>> -> memref<1x16384xi32, #tpu.memory_space<hbm>>
          %dma_wait3A_83 = tpu.memref_squeeze %dma_wait3A_82 : memref<1x16384xi32, #tpu.memory_space<hbm>> -> memref<16384xi32, #tpu.memory_space<hbm>>
          tpu.wait_dma2 semaphore(%run_scoped3A : memref<!tpu.dma_semaphore, #tpu.memory_space<semaphore_mem>>) src(%dma_wait3A_83 : memref<16384xi32, #tpu.memory_space<hbm>>) dst(%arg6 : memref<16384xi32, #tpu.memory_space<vmem>>)
          tpu.yield
        }) : () -> ()
      } else {
      }
      "tpu.region"() ({
        %run_scoped3A = tpu.sem_alloc : memref<!tpu.dma_semaphore, #tpu.memory_space<semaphore_mem>>
        %dma_start3A = arith.constant 0 : i32
        %dma_start3A_74 = tpu.memref_slice %arg2[%add3A_11, %dma_start3A] : memref<832x100000xf32, #tpu.memory_space<hbm>> -> memref<1x100000xf32, #tpu.memory_space<hbm>>
        %dma_start3A_75 = tpu.memref_squeeze %dma_start3A_74 : memref<1x100000xf32, #tpu.memory_space<hbm>> -> memref<100000xf32, #tpu.memory_space<hbm>>
        %dma_start3A_76 = arith.constant 0 : i32
        %dma_start3A_77 = tpu.memref_slice %arg2[%add3A_11, %dma_start3A_76] : memref<832x100000xf32, #tpu.memory_space<hbm>> -> memref<1x100000xf32, #tpu.memory_space<hbm>>
        %dma_start3A_78 = tpu.memref_squeeze %dma_start3A_77 : memref<1x100000xf32, #tpu.memory_space<hbm>> -> memref<100000xf32, #tpu.memory_space<hbm>>
        tpu.enqueue_dma source(%dma_start3A_78 : memref<100000xf32, #tpu.memory_space<hbm>>) target(%arg5 : memref<100000xf32, #tpu.memory_space<vmem>>) target_semaphore(%run_scoped3A : memref<!tpu.dma_semaphore, #tpu.memory_space<semaphore_mem>>)
        %dma_wait3A = arith.constant 0 : i32
        %dma_wait3A_79 = tpu.memref_slice %arg2[%add3A_11, %dma_wait3A] : memref<832x100000xf32, #tpu.memory_space<hbm>> -> memref<1x100000xf32, #tpu.memory_space<hbm>>
        %dma_wait3A_80 = tpu.memref_squeeze %dma_wait3A_79 : memref<1x100000xf32, #tpu.memory_space<hbm>> -> memref<100000xf32, #tpu.memory_space<hbm>>
        %dma_wait3A_81 = arith.constant 0 : i32
        %dma_wait3A_82 = tpu.memref_slice %arg2[%add3A_11, %dma_wait3A_81] : memref<832x100000xf32, #tpu.memory_space<hbm>> -> memref<1x100000xf32, #tpu.memory_space<hbm>>
        %dma_wait3A_83 = tpu.memref_squeeze %dma_wait3A_82 : memref<1x100000xf32, #tpu.memory_space<hbm>> -> memref<100000xf32, #tpu.memory_space<hbm>>
        tpu.wait_dma2 semaphore(%run_scoped3A : memref<!tpu.dma_semaphore, #tpu.memory_space<semaphore_mem>>) src(%dma_wait3A_83 : memref<100000xf32, #tpu.memory_space<hbm>>) dst(%arg5 : memref<100000xf32, #tpu.memory_space<vmem>>)
        tpu.yield
      }) : () -> ()
      %jit3A_30 = arith.constant 8 : i32
      %div3A_31 = arith.divsi %add3A_11, %jit3A_30 : i32
      %sign3A_32 = arith.constant 0 : i32
      %sign3A_33 = arith.cmpi sgt, %add3A_11, %sign3A_32 : i32
      %sign3A_34 = arith.extui %sign3A_33 : i1 to i32
      %sign3A_35 = arith.constant 0 : i32
      %sign3A_36 = arith.cmpi slt, %add3A_11, %sign3A_35 : i32
      %sign3A_37 = arith.extui %sign3A_36 : i1 to i32
      %sign3A_38 = arith.subi %sign3A_34, %sign3A_37 : i32
      %sign3A_39 = arith.constant 0 : i32
      %sign3A_40 = arith.cmpi sgt, %jit3A_30, %sign3A_39 : i32
      %sign3A_41 = arith.extui %sign3A_40 : i1 to i32
      %sign3A_42 = arith.constant 0 : i32
      %sign3A_43 = arith.cmpi slt, %jit3A_30, %sign3A_42 : i32
      %sign3A_44 = arith.extui %sign3A_43 : i1 to i32
      %sign3A_45 = arith.subi %sign3A_41, %sign3A_44 : i32
      %ne3A_46 = arith.cmpi ne, %sign3A_38, %sign3A_45 : i32
      %rem3A_47 = arith.remsi %add3A_11, %jit3A_30 : i32
      %ne3A_48 = arith.constant 0 : i32
      %ne3A_49 = arith.cmpi ne, %rem3A_47, %ne3A_48 : i32
      %and3A_50 = arith.andi %ne3A_46, %ne3A_49 : i1
      %sub3A_51 = arith.constant 1 : i32
      %sub3A_52 = arith.subi %div3A_31, %sub3A_51 : i32
      %select_n3A_53 = arith.select %and3A_50, %sub3A_52, %div3A_31 : i32
      %jit3A_54 = arith.constant 8 : i32
      %eq3A = arith.constant 0 : i32
      %eq3A_55 = arith.cmpi eq, %jit3A_54, %eq3A : i32
      %jit3A_56 = arith.constant 1 : i32
      %select_n3A_57 = arith.select %eq3A_55, %jit3A_56, %jit3A_54 : i32
      %rem3A_58 = arith.remsi %add3A_11, %select_n3A_57 : i32
      %ne3A_59 = arith.constant 0 : i32
      %ne3A_60 = arith.cmpi ne, %rem3A_58, %ne3A_59 : i32
      %lt3A = arith.constant 0 : i32
      %lt3A_61 = arith.cmpi slt, %rem3A_58, %lt3A : i32
      %lt3A_62 = arith.constant 0 : i32
      %lt3A_63 = arith.cmpi slt, %select_n3A_57, %lt3A_62 : i32
      %ne3A_64 = arith.xori %lt3A_61, %lt3A_63 : i1
      %and3A_65 = arith.andi %ne3A_64, %ne3A_60 : i1
      %add3A_66 = arith.addi %rem3A_58, %select_n3A_57 : i32
      %select_n3A_67 = arith.select %and3A_65, %add3A_66, %rem3A_58 : i32
      %scan3A_68 = arith.constant 0 : i32
      %scan3A_69 = arith.constant 0 : i32
      %scan3A_70 = arith.constant 2 : i32
      %scan3A_71 = arith.addi %scan3A_69, %scan3A_70 : i32
      %scan3A_72 = arith.constant 1 : i32
      scf.for %scan3A_74 = %scan3A_69 to %scan3A_71 step %scan3A_72  : i32 {
        %parallel_loop3A = arith.constant 0 : i32
        %parallel_loop3A_75 = arith.constant 512 : i32
        %parallel_loop3A_76 = arith.constant 1 : i32
        scf.for %parallel_loop3A_79 = %parallel_loop3A to %parallel_loop3A_75 step %parallel_loop3A_76  : i32 {
          %parallel_loop3A_80 = arith.constant 8192 : i32
          %parallel_loop3A_81 = arith.muli %scan3A_74, %parallel_loop3A_80 : i32
          %parallel_loop3A_82 = arith.constant 16 : i32
          %parallel_loop3A_83 = arith.muli %parallel_loop3A_79, %parallel_loop3A_82 : i32
          %parallel_loop3A_84 = arith.addi %parallel_loop3A_81, %parallel_loop3A_83 : i32
          %parallel_loop3A_85 = arith.index_cast %parallel_loop3A_84 : i32 to index
          %parallel_loop3A_86 = tpu.vector_load %arg6[%parallel_loop3A_85] {strides = array<i32>} : memref<16384xi32, #tpu.memory_space<vmem>>, vector<16xi32>,
          %parallel_loop3A_87 = arith.constant 8 : i32
          %parallel_loop3A_88 = arith.divsi %parallel_loop3A_79, %parallel_loop3A_87 : i32
          %parallel_loop3A_89 = arith.constant 0 : i32
          %parallel_loop3A_90 = arith.cmpi sgt, %parallel_loop3A_79, %parallel_loop3A_89 : i32
          %parallel_loop3A_91 = arith.extui %parallel_loop3A_90 : i1 to i32
          %parallel_loop3A_92 = arith.constant 0 : i32
          %parallel_loop3A_93 = arith.cmpi slt, %parallel_loop3A_79, %parallel_loop3A_92 : i32
          %parallel_loop3A_94 = arith.extui %parallel_loop3A_93 : i1 to i32
          %parallel_loop3A_95 = arith.subi %parallel_loop3A_91, %parallel_loop3A_94 : i32
          %parallel_loop3A_96 = arith.constant 0 : i32
          %parallel_loop3A_97 = arith.cmpi sgt, %parallel_loop3A_87, %parallel_loop3A_96 : i32
          %parallel_loop3A_98 = arith.extui %parallel_loop3A_97 : i1 to i32
          %parallel_loop3A_99 = arith.constant 0 : i32
          %parallel_loop3A_100 = arith.cmpi slt, %parallel_loop3A_87, %parallel_loop3A_99 : i32
          %parallel_loop3A_101 = arith.extui %parallel_loop3A_100 : i1 to i32
          %parallel_loop3A_102 = arith.subi %parallel_loop3A_98, %parallel_loop3A_101 : i32
          %parallel_loop3A_103 = arith.cmpi ne, %parallel_loop3A_95, %parallel_loop3A_102 : i32
          %parallel_loop3A_104 = arith.remsi %parallel_loop3A_79, %parallel_loop3A_87 : i32
          %parallel_loop3A_105 = arith.constant 0 : i32
          %parallel_loop3A_106 = arith.cmpi ne, %parallel_loop3A_104, %parallel_loop3A_105 : i32
          %parallel_loop3A_107 = arith.andi %parallel_loop3A_103, %parallel_loop3A_106 : i1
          %parallel_loop3A_108 = arith.constant 1 : i32
          %parallel_loop3A_109 = arith.subi %parallel_loop3A_88, %parallel_loop3A_108 : i32
          %parallel_loop3A_110 = arith.select %parallel_loop3A_107, %parallel_loop3A_109, %parallel_loop3A_88 : i32
          %parallel_loop3A_111 = arith.constant 8 : i32
          %parallel_loop3A_112 = arith.constant 0 : i32
          %parallel_loop3A_113 = arith.cmpi eq, %parallel_loop3A_111, %parallel_loop3A_112 : i32
          %parallel_loop3A_114 = arith.constant 1 : i32
          %parallel_loop3A_115 = arith.select %parallel_loop3A_113, %parallel_loop3A_114, %parallel_loop3A_111 : i32
          %parallel_loop3A_116 = arith.remsi %parallel_loop3A_79, %parallel_loop3A_115 : i32
          %parallel_loop3A_117 = arith.constant 0 : i32
          %parallel_loop3A_118 = arith.cmpi ne, %parallel_loop3A_116, %parallel_loop3A_117 : i32
          %parallel_loop3A_119 = arith.constant 0 : i32
          %parallel_loop3A_120 = arith.cmpi slt, %parallel_loop3A_116, %parallel_loop3A_119 : i32
          %parallel_loop3A_121 = arith.constant 0 : i32
          %parallel_loop3A_122 = arith.cmpi slt, %parallel_loop3A_115, %parallel_loop3A_121 : i32
          %parallel_loop3A_123 = arith.xori %parallel_loop3A_120, %parallel_loop3A_122 : i1
          %parallel_loop3A_124 = arith.andi %parallel_loop3A_123, %parallel_loop3A_118 : i1
          %parallel_loop3A_125 = arith.addi %parallel_loop3A_116, %parallel_loop3A_115 : i32
          %parallel_loop3A_126 = arith.select %parallel_loop3A_124, %parallel_loop3A_125, %parallel_loop3A_116 : i32
          %parallel_loop3A_127 = tpu.vector_load_idx %arg5[%parallel_loop3A_86] : memref<100000xf32, #tpu.memory_space<vmem>>[vector<16xi32>], vector<16xf32>,
          %parallel_loop3A_128 = arith.constant 16 : i32
          %parallel_loop3A_129 = arith.muli %parallel_loop3A_126, %parallel_loop3A_128 : i32
          %parallel_loop3A_130 = arith.index_cast %parallel_loop3A_110 : i32 to index
          %parallel_loop3A_131 = arith.index_cast %parallel_loop3A_129 : i32 to index
          %parallel_loop3A_132 = tpu.vector_load %arg7[%parallel_loop3A_130, %parallel_loop3A_131] {strides = array<i32>} : memref<64x128xf32, #tpu.memory_space<vmem>>, vector<16xf32>,
          tpu.vector_store %arg7[%parallel_loop3A_130, %parallel_loop3A_131], %parallel_loop3A_127 {strides = array<i32>} : memref<64x128xf32, #tpu.memory_space<vmem>>, vector<16xf32>,
        } {sc.loop_unroll_factor = 16 : i64, sc.parallel_access}
        %mul3A_77 = arith.constant 64 : i32
        %mul3A_78 = arith.muli %scan3A_74, %mul3A_77 : i32
        "tpu.region"() ({
          %run_scoped3A = tpu.sem_alloc : memref<!tpu.dma_semaphore, #tpu.memory_space<semaphore_mem>>
          %dma_start3A = arith.constant 0 : i32
          %dma_start3A_79 = tpu.memref_slice %arg4[%select_n3A_53, %mul3A_78, %select_n3A_67, %dma_start3A] : memref<104x128x8x128xf32, #tpu.memory_space<hbm>> -> memref<1x64x1x128xf32, #tpu.memory_space<hbm>>
          %dma_start3A_80 = tpu.memref_squeeze %dma_start3A_79 : memref<1x64x1x128xf32, #tpu.memory_space<hbm>> -> memref<64x128xf32, #tpu.memory_space<hbm>>
          %dma_start3A_81 = arith.constant 0 : i32
          %dma_start3A_82 = tpu.memref_slice %arg4[%select_n3A_53, %mul3A_78, %select_n3A_67, %dma_start3A_81] : memref<104x128x8x128xf32, #tpu.memory_space<hbm>> -> memref<1x64x1x128xf32, #tpu.memory_space<hbm>>
          %dma_start3A_83 = tpu.memref_squeeze %dma_start3A_82 : memref<1x64x1x128xf32, #tpu.memory_space<hbm>> -> memref<64x128xf32, #tpu.memory_space<hbm>>
          tpu.enqueue_dma source(%arg7 : memref<64x128xf32, #tpu.memory_space<vmem>>) target(%dma_start3A_83 : memref<64x128xf32, #tpu.memory_space<hbm>>) target_semaphore(%run_scoped3A : memref<!tpu.dma_semaphore, #tpu.memory_space<semaphore_mem>>)
          %dma_wait3A = arith.constant 0 : i32
          %dma_wait3A_84 = tpu.memref_slice %arg4[%select_n3A_53, %mul3A_78, %select_n3A_67, %dma_wait3A] : memref<104x128x8x128xf32, #tpu.memory_space<hbm>> -> memref<1x64x1x128xf32, #tpu.memory_space<hbm>>
          %dma_wait3A_85 = tpu.memref_squeeze %dma_wait3A_84 : memref<1x64x1x128xf32, #tpu.memory_space<hbm>> -> memref<64x128xf32, #tpu.memory_space<hbm>>
          %dma_wait3A_86 = arith.constant 0 : i32
          %dma_wait3A_87 = tpu.memref_slice %arg4[%select_n3A_53, %mul3A_78, %select_n3A_67, %dma_wait3A_86] : memref<104x128x8x128xf32, #tpu.memory_space<hbm>> -> memref<1x64x1x128xf32, #tpu.memory_space<hbm>>
          %dma_wait3A_88 = tpu.memref_squeeze %dma_wait3A_87 : memref<1x64x1x128xf32, #tpu.memory_space<hbm>> -> memref<64x128xf32, #tpu.memory_space<hbm>>
          tpu.wait_dma2 semaphore(%run_scoped3A : memref<!tpu.dma_semaphore, #tpu.memory_space<semaphore_mem>>) src(%arg7 : memref<64x128xf32, #tpu.memory_space<vmem>>) dst(%dma_wait3A_88 : memref<64x128xf32, #tpu.memory_space<hbm>>)
          tpu.yield
        }) : () -> ()
      }
      %scan3A_73 = arith.constant 2 : i32
      scf.yield %select_n3A : i32
    }
    %scan3A_8 = arith.constant 26 : i32
    return
  }
}

</mosaic_0001>

<sc_bundles>
// kernel: kernel.3.cloned.1.call-start
scs
__scs_entry_jumppad:
0x0: {  	(pc) =	sbr.rel $0x88, $3  }
0x1: {  	(tag) =	ssettag $0x0;
	lr =	simm.s32 $0x1  }
0x2: {  	[smem:$0x3F9F] =	sst lr;
	_ =	strace $0xD0000000  }
0x3: {  	_ = 	snop  }
0x4: {  	_ = 	snop  }
0x5: {  	_ = 	snop  }
0x6: {  	_ = 	snop  }
0x7: {  	_ = 	snop  }
__scs_overlays_trampoline_lowered:
0x8: {  	[smem:$0x3FAE] =	sst s0  }
0x9: {  	[smem:$0x3FAF] =	sst s1  }
0xa: {  	[smem:$0x3FB0] =	sst s2  }
0xb: {  	[smem:$0x3FB1] =	sst s3  }
0xc: {  	[smem:$0x3FB2] =	sst s4  }
0xd: {  	[smem:$0x3FB3] =	sst s5  }
0xe: {  	[smem:$0x3FB4] =	sst s6  }
0xf: {  	[smem:$0x3FB5] =	sst s7  }
0x10: {  	[smem:$0x3FB6] =	sst s8  }
0x11: {  	[smem:$0x3FB7] =	sst s9;
	s0 =	simm.s32 @!p0 $0x0  }
0x12: {  	s1 =	sld [smem:$0x3F9D];
	s0 =	simm.s32 @p0 $0x1  }
0x13: {  	[smem:$0x3FB8] =	sst s0;
	s0 =	simm.s32 @!p1 $0x0  }
0x14: {  	s2 =	sld [smem:$0x3F9C];
	s0 =	simm.s32 @p1 $0x1  }
0x15: {  	[smem:$0x3FB9] =	sst s0;
	s0 =	simm.s32 @!p2 $0x0  }
0x16: {  	s3 =	sld [smem:$0x3FDB];
	s0 =	simm.s32 @p2 $0x1  }
0x17: {  	s4 =	simm.s32 $0x1BF5;
	[smem:$0x3FBB] =	sst s0  }
0x18: {  	s0 =	sld [smem:$0x3F9E];
	_ =	swait.ge [sflag:s4], $0x0  }
0x19: {  	s7 =	sld [smem:$0x3F9F]  }
0x1a: {  	s8 =	sadd.s32 $0xFFFFE003, lr  }
0x1b: {  	s9 =	sadd.s32 $0xFFFFFEF7, lr;
	s5 =	simm.s32 $0xFFFFFFFF;
	p2 =	slt.u32 s8, $0xFFFFF086  }
0x1c: {  	p1 =	slt.u32 s9, $0xF7A;
	s5 =	simm.s32 @!p2 $0x0  }
0x1d: {  	s5 =	simm.s32 @p1 $0x1;
	p0 =	seq.s32 s7, s2  }
0x1e: {  	s7 =	smul.u32 @!p0 $0xF7A, s2;
	p2 =	seq.s32 @!p0 s5, $0x0  }
0x1f: {  	s9 =	smul.u32 $0xF7A, s1;
	s8 =	simm.s32 @!p0 $0x1BF5;
	p2 =	por !p2, p0  }
0x20: {  	[sflag:s8] =	ssyncset.s32 @!p0 $0xFFFFF086;
	s6 =	sadd.s32 @!p0 s3, s7;
	s7 =	simm.s32 @!p0 $0x108  }
0x21: {  	s3 =	sadd.s32 s3, s9;
	s6 =	sadd.s32 @!p0 $0x88, s6;
	s7 =	simm.s32 @p2 $0x1082  }
0x22: {  	[simem:s7], [sflag:s8] =	dma.local @!p0 [hbm:s6], $0xF7A  }
0x23: {  	s9 =	sor.u32 $0xD0000000, s2;
	s6 =	simm.s32 $0x108;
	_ =	swait.ge @!p0 [sflag:s8], $0x0  }
0x24: {  	s3 =	sadd.s32 $0x88, s3;
	s6 =	simm.s32 @!p1 $0x1082;
	[sflag:s4] =	ssyncset.s32 $0xFFFFF086  }
0x25: {  	[simem:s6], [sflag:s4] =	dma.local [hbm:s3], $0xF7A  }
0x26: {  	[smem:$0x3F9F] =	sst s1;
	(tag) =	ssettag s2;
	_ =	strace s9  }
0x27: {  	s1 =	sld [smem:$0x3FAF]  }
0x28: {  	s2 =	sld [smem:$0x3FB0]  }
0x29: {  	s4 =	sld [smem:$0x3FB2]  }
0x2a: {  	p0 =	seq.s32 s5, $0x0;
	s5 =	sld [smem:$0x3FB3]  }
0x2b: {  	s6 =	sld [smem:$0x3FB4]  }
0x2c: {  	s7 =	sld [smem:$0x3FB5]  }
0x2d: {  	s3 =	simm.s32 $0x108;
	s8 =	sld [smem:$0x3FB6]  }
0x2e: {  	s3 =	simm.s32 @!p0 $0x1082;
	s9 =	sld [smem:$0x3FB7]  }
0x2f: {  	lr =	sadd.s32 s0, s3;
	s0 =	sld [smem:$0x3FAE]  }
0x30: {  	s3 =	sld [smem:$0x3FB1]  }
0x31: {  	[smem:$0x3FBA] =	sst s10  }
0x32: {  	s10 =	sld [smem:$0x3FB8];
	_ =	sdelay $0x3  }
0x33: {  	p0 =	seq.s32 s10, $0x1;
	s10 =	sld [smem:$0x3FBA];
	_ =	sdelay $0x3  }
0x34: {  	[smem:$0x3FBA] =	sst s10  }
0x35: {  	s10 =	sld [smem:$0x3FB9];
	_ =	sdelay $0x3  }
0x36: {  	p1 =	seq.s32 s10, $0x1;
	s10 =	sld [smem:$0x3FBA];
	_ =	sdelay $0x3  }
0x37: {  	[smem:$0x3FBA] =	sst s10  }
0x38: {  	s10 =	sld [smem:$0x3FBB]  }
0x39: {  	_ = 	snop;
	(pc) =	sbr.ind lr, $3  }
0x3a: {  	_ = 	snop  }
0x3b: {  	_ = 	snop  }
0x3c: {  	p2 =	seq.s32 s10, $0x1;
	s10 =	sld [smem:$0x3FBA]  }
0x3d: {  	_ =	shalt  }
0x3e: {  	_ =	shalt  }
0x3f: {  	_ =	shalt  }
0x40: {  	_ =	shalt  }
0x41: {  	_ =	shalt  }
0x42: {  	_ =	shalt  }
0x43: {  	_ =	shalt  }
0x44: {  	_ =	shalt  }
0x45: {  	_ =	shalt  }
0x46: {  	_ =	shalt  }
0x47: {  	_ =	shalt  }
0x48: {  	_ =	shalt  }
0x49: {  	_ =	shalt  }
0x4a: {  	_ =	shalt  }
0x4b: {  	_ =	shalt  }
0x4c: {  	_ =	shalt  }
0x4d: {  	_ =	shalt  }
0x4e: {  	_ =	shalt  }
0x4f: {  	_ =	shalt  }
0x50: {  	_ =	shalt  }
0x51: {  	_ =	shalt  }
0x52: {  	_ =	shalt  }
0x53: {  	_ =	shalt  }
0x54: {  	_ =	shalt  }
0x55: {  	_ =	shalt  }
0x56: {  	_ =	shalt  }
0x57: {  	_ =	shalt  }
0x58: {  	_ =	shalt  }
0x59: {  	_ =	shalt  }
0x5a: {  	_ =	shalt  }
0x5b: {  	_ =	shalt  }
0x5c: {  	_ =	shalt  }
0x5d: {  	_ =	shalt  }
0x5e: {  	_ =	shalt  }
0x5f: {  	_ =	shalt  }
0x60: {  	_ =	shalt  }
0x61: {  	_ =	shalt  }
0x62: {  	_ =	shalt  }
0x63: {  	_ =	shalt  }
0x64: {  	_ =	shalt  }
0x65: {  	_ =	shalt  }
0x66: {  	_ =	shalt  }
0x67: {  	_ =	shalt  }
0x68: {  	_ =	shalt  }
0x69: {  	_ =	shalt  }
0x6a: {  	_ =	shalt  }
0x6b: {  	_ =	shalt  }
0x6c: {  	_ =	shalt  }
0x6d: {  	_ =	shalt  }
0x6e: {  	_ =	shalt  }
0x6f: {  	_ =	shalt  }
0x70: {  	_ =	shalt  }
0x71: {  	_ =	shalt  }
0x72: {  	_ =	shalt  }
0x73: {  	_ =	shalt  }
0x74: {  	_ =	shalt  }
0x75: {  	_ =	shalt  }
0x76: {  	_ =	shalt  }
0x77: {  	_ =	shalt  }
0x78: {  	_ =	shalt  }
0x79: {  	_ =	shalt  }
0x7a: {  	_ =	shalt  }
0x7b: {  	_ =	shalt  }
0x7c: {  	_ =	shalt  }
0x7d: {  	_ =	shalt  }
0x7e: {  	_ =	shalt  }
0x7f: {  	_ =	shalt  }
0x80: {  	_ =	shalt  }
0x81: {  	_ =	shalt  }
0x82: {  	_ =	shalt  }
0x83: {  	_ =	shalt  }
0x84: {  	_ =	shalt  }
0x85: {  	_ =	shalt  }
0x86: {  	_ =	shalt  }
0x87: {  	_ =	shalt  }
.Lfunc_end0:
.L_simem_size_0:
called_computation_lowered:
.L_overlay_start_0:
0x88: {  	s2 =	sld [smem:$0x3FD9]  }
0x89: {  	s3 =	sld [smem:$0x3FFE];
	_ =	sdelay $0x1  }
0x8a: {  	s1 =	srdreg.scid  }
0x8b: {  	s0 =	sand.u32 $0x1, s1  }
0x8c: {  	s17 =	sshll.u32 s0, $0xA;
	s2 =	sadd.s32 s3, s2  }
0x8d: {  	s2 =	sadd.s32 s2, s17  }
0x8e: {  	[smem:$0x3FC6] =	sst s2  }
0x8f: {  	_ = 	snop  }
0x90: {  	s2 =	sld [smem:$0x3FD0];
	(tm) =	ssettm $0x1  }
0x91: {  	s18 =	sld [smem:$0x3FFB];
	_ =	sdelay $0x3  }
0x92: {  	_ =	strace s18  }
0x93: {  	s3 =	sld [smem:$0x3FFC];
	_ =	sdelay $0x3  }
0x94: {  	_ =	strace s3  }
0x95: {  	s3 =	sld [smem:$0x3FFD];
	_ =	sdelay $0x3  }
0x96: {  	_ =	strace s3  }
0x97: {  	_ =	strace $0x8FFFFFFF  }
0x98: {  	s19 =	sld [smem:$0x3FDB];
	_ =	sdelay $0x1  }
0x99: {  	s4 =	simm.s32 $_scs_section_size  }
0x9a: {  	s5 =	simm.s32 $_size__tile_overlayer_lowered;
	s6 =	simm.s32 $_tile_overlayer_lowered  }
0x9b: {  	s22 =	simm.s32 $0x1BFF;
	s21 =	sshll.u32 s6, $0x1;
	s3 =	sadd.s32 s4, s19  }
0x9c: {  	s7 =	simm.s32 $0x0;
	s20 =	sshll.u32 s5, $0x1;
	s5 =	sadd.s32 s21, s3  }
0x9d: {  	[timem:s7], [sflag:s22] =	dma.local [hbm:s5], s20  }
0x9e: {  	_ =	swait.ge [sflag:s22], s20  }
0x9f: {  	s4 =	ssub.s32 $0x0, s20;
	[sflag:s22] =	ssyncset.done $0x0  }
0xa0: {  	[sflag:s22] =	ssyncadd.s32 s4;
	_ =	sdelay $0x1  }
0xa1: {  	s23 =	simm.s32 $0x1B8B  }
0xa2: {  	_ =	swait.ge [sflag:s23], $0x1  }
0xa3: {  	[sflag:s23] =	ssyncset.done $0x0  }
0xa4: {  	s25 =	simm.s32 $0x1B8E;
	s24 =	sld [smem:$0x3FFE];
	[sflag:s23] =	ssyncadd.s32 $0xFFFFFFFF  }
0xa5: {  	s26 =	simm.s32 $execute0_lowered;
	[smem:$0x3FD2] =	sst s25  }
0xa6: {  	s5 =	sshll.u32 s26, $0x1;
	_ =	strace $0x80000046;
	[dreg:$0x1] =	wrdreg $0xFFFFFFFF  }
0xa7: {  	s28 =	simm.s32 $_size_execute0_lowered;
	s3 =	sadd.s32 s3, s5;
	[dreg:$0x0] =	wrdreg $0x0  }
0xa8: {  	s5 =	sshll.u32 s28, $0x1;
	[dreg:$0x2] =	wrdreg s3  }
0xa9: {  	[dreg:$0x3] =	wrdreg s5  }
0xaa: {  	[dreg:$0x4] =	wrdreg $0xC0  }
0xab: {  	_ =	task [dreg:s7], $0x5FFFF  }
0xac: {  	[dreg:$0x1] =	wrdreg $0xFFFFFFFF  }
0xad: {  	[dreg:$0x0] =	wrdreg $0x60  }
0xae: {  	[dreg:$0x2] =	wrdreg s24  }
0xaf: {  	[dreg:$0x3] =	wrdreg s2  }
0xb0: {  	[dreg:$0x4] =	wrdreg $0x9  }
0xb1: {  	_ =	task.clear_ibuf [dreg:s7], $0x5FFFF;
	_ =	strace $0x90000046  }
0xb2: {  	s29 =	simm.s32 $0x9;
	_ =	strace $0x80000048  }
0xb3: {  	_ =	swait.ge [sflag:s29], $0x1  }
0xb4: {  	[sflag:s29] =	ssyncadd.s32 $0xFFFFFFFF  }
0xb5: {  	_ =	strace $0x90000048  }
0xb6: {  	_ =	sfence  }
0xb7: {  	s30 =	sld [smem:$0x0];
	_ =	sdelay $0x2  }
0xb8: {  	s31 =	sshll.u32 s1, $0xD;
	s1 =	sshrl.u32 s1, $0x2  }
0xb9: {  	s3 =	sand.u32 $0x4000, s31;
	s1 =	sadd.s32 s1, s30  }
0xba: {  	s0 =	sor.u32 s3, s0;
	s1 =	sshll.u32 s1, $0x11  }
0xbb: {  	s0 =	sor.u32 s1, s0  }
0xbc: {  	s0 =	sadd.s32 $0x8F2B, s0  }
0xbd: {  	[sflag:s0] =	ssyncadd.remote.s32 $0x1  }
0xbe: {  	_ =	sfence.sel $0xFFFF  }
0xbf: {  	[dreg:$0x0] =	wrdreg $0xFFFFFFFF;
	(pc) =	sbr.abs _section_cstart, $3  }
0xc0: {  	[dreg:$0x1] =	wrdreg $0xFFFFFFFF  }
0xc1: {  	_ =	task.clear_ibuf [dreg:s7], $0x2FFFF;
	_ =	strace $0x9FFFFFFF  }
0xc2: {  	(tm) =	ssettm $0x7FFFFFFF  }
0xc3: {  	_ =	shalt  }
tec
execute0_lowered:
.L_overlay_start_1:
0x0: {  	(tag) =	ssettag $0x1  }
0x1: {  	s5 =	rddreg [dreg:$0x0]  }
0x2: {  	s1 =	rddreg [dreg:$0x1]  }
0x3: {  	s0 =	rddreg [dreg:$0x2];
	s3 =	simm.s32 $0x0;
	s4 =	srdreg.scid  }
0x4: {  	s2 =	stileid.u32;
	s10 =	simm.s32 $0x400;
	s11 =	simm.s32 $0x1C6A0  }
0x5: {  	s12 =	simm.s32 $0x0;
	[smem:$0x7FF] =	sst s3;
	s6 =	sand.u32 $0x1, s4  }
0x6: {  	s8 =	sshll.u32 s2, $0x1;
	s4 =	sadd.s32 $0xD400, s5;
	s7 =	ssub.s32 $0x2, s6  }
0x7: {  	s5 =	sadd.s32 $0x400, s5;
	_ =	strace $0x80000047;
	s9 =	sshrl.u32 s7, $0x1  }
0x8: {  	s6 =	sor.u32 s6, s8;
	s8 =	simm.s32 $0x1;
	s7 =	ssub.s32 s7, s9  }
0x9: {  	s6 =	smul.u32 $0x1A, s6;
	s9 =	simm.s32 $0x80;
	s7 =	smax.u32 s7, $0x1  }
.LBB2_1:
0xa: {  	s14 =	simm.s32 $0xFFFFFFFF;
	s13 =	simm.s32 $0x0  }
.LBB2_2:
0xb: {  	s17 =	sadd.s32 s6, s13  }
0xc: {  	s15 =	smov.u32 s14;
	s14 =	sshrl.u32 s17, $0x5  }
0xd: {  	p0 =	seq.s32 s14, s15  }
0xe: {  	s15 =	sshll.u32 @!p0 s14, $0xB  }
0xf: {  	s15 =	sand.u32 @!p0 $0x1FFFF800, s15  }
0x10: {  	s16 =	simm.s32 @!p0 $0x0;
	s18 =	simm.s32 @!p0 $0x186A0;
	s15 =	sadd.s32 @!p0 s5, s15  }
0x11: {  	[tilespmem:s18], [sflag:$0x1] =	stream.linear.gather @!p0 [hbm4b:s15+s16], $0x4000, $0x38;
	[tilespmem:$0x1E6A0] =	vst v63  }
0x12: {  	s15 =	simm.s32 @!p0 $0x1  }
0x13: {  	s29 =	smul.u32 $0x30D4, s17;
	_ =	swait.ge @!p0 [sflag:s15], $0x4000  }
0x14: {  	s31 =	sshll.u32 s17, $0xB;
	[sflag:s15] =	ssyncset.done @!p0 $0x0  }
0x15: {  	s30 =	sadd.s32 s4, s29;
	s16 =	simm.s32 $0x0;
	[sflag:s15] =	ssyncadd.s32 @!p0 $0xFFFFC000  }
0x16: {  	[tilespmem:s16], [sflag:$0x1] =	stream.linear.gather [hbm4b:s30+s16], $0x186A0, $0x38;
	[tilespmem:$0x1E6A0] =	vst v63  }
0x17: {  	s17 =	sshll.u32 s17, $0x4;
	s15 =	sand.u32 $0xFFFC000, s31;
	_ =	swait.ge [sflag:s8], $0x186A0  }
0x18: {  	s17 =	sand.u32 $0x70, s17;
	s15 =	sadd.s32 s1, s15;
	[sflag:s8] =	ssyncset.done $0x0  }
0x19: {  	p1 =	por $0x1, $0x1;
	s15 =	sadd.s32 s17, s15;
	[sflag:s8] =	ssyncadd.s32 $0xFFFE7960  }
.LBB2_3:
0x1a: {  	s16 =	sshll.u32 s16, $0xD  }
0x1b: {  	s17 =	sand.u32 $0x3FFFE000, s16  }
0x1c: {  	s19 =	sadd.s32 $0x18720, s17  }
0x1d: {  	v0 =	vld [tilespmem:s19+$0x70]  }
0x1e: {  	v1 =	vld [tilespmem:s19+$0xFFFFFF90]  }
0x1f: {  	v2 =	vld [tilespmem:s19+$0xFFFFFFA0]  }
0x20: {  	v3 =	vld [tilespmem:s19+$0xFFFFFFB0]  }
0x21: {  	v4 =	vld [tilespmem:s19+$0xFFFFFFC0]  }
0x22: {  	v5 =	vld [tilespmem:s19+$0xFFFFFFD0]  }
0x23: {  	v6 =	vld [tilespmem:s19+$0xFFFFFFE0]  }
0x24: {  	v7 =	vld [tilespmem:s19+$0xFFFFFFF0]  }
0x25: {  	v8 =	vld [tilespmem:s19+$0x0]  }
0x26: {  	v9 =	vld [tilespmem:s19+$0x10]  }
0x27: {  	v10 =	vld [tilespmem:s19+$0x20]  }
0x28: {  	v11 =	vld [tilespmem:s19+$0x30]  }
0x29: {  	v12 =	vld [tilespmem:s19+$0x40]  }
0x2a: {  	v13 =	vld [tilespmem:s19+$0x50]  }
0x2b: {  	v14 =	vld [tilespmem:s19+$0x60]  }
0x2c: {  	v15 =	vld [tilespmem:s19+$0xFFFFFF80]  }
0x2d: {  	v0 =	vld.idx.msk [tilespmem:v0+s3+$0x0], $0xffff  }
0x2e: {  	v1 =	vld.idx.msk [tilespmem:v1+s3+$0x0], $0xffff  }
0x2f: {  	v2 =	vld.idx.msk [tilespmem:v2+s3+$0x0], $0xffff  }
0x30: {  	v3 =	vld.idx.msk [tilespmem:v3+s3+$0x0], $0xffff  }
0x31: {  	v4 =	vld.idx.msk [tilespmem:v4+s3+$0x0], $0xffff  }
0x32: {  	s17 =	simm.s32 $0x1C720;
	v5 =	vld.idx.msk [tilespmem:v5+s3+$0x0], $0xffff  }
0x33: {  	v6 =	vld.idx.msk [tilespmem:v6+s3+$0x0], $0xffff;
	[tilespmem:s17+$0x70] =	vst v0  }
0x34: {  	v7 =	vld.idx.msk [tilespmem:v7+s3+$0x0], $0xffff;
	[tilespmem:s17+$0xFFFFFF90] =	vst v1  }
0x35: {  	v15 =	vld.idx.msk [tilespmem:v15+s3+$0x0], $0xffff;
	[tilespmem:s17+$0xFFFFFFA0] =	vst v2  }
0x36: {  	v8 =	vld.idx.msk [tilespmem:v8+s3+$0x0], $0xffff;
	[tilespmem:s17+$0xFFFFFFB0] =	vst v3  }
0x37: {  	[tilespmem:s17+$0xFFFFFFC0] =	vst v4;
	v0 =	vld.idx.msk [tilespmem:v9+s3+$0x0], $0xffff  }
0x38: {  	[tilespmem:s17+$0xFFFFFFD0] =	vst v5;
	v1 =	vld.idx.msk [tilespmem:v10+s3+$0x0], $0xffff  }
0x39: {  	[tilespmem:s17+$0xFFFFFFE0] =	vst v6;
	v2 =	vld.idx.msk [tilespmem:v11+s3+$0x0], $0xffff  }
0x3a: {  	[tilespmem:s17+$0xFFFFFFF0] =	vst v7;
	v3 =	vld.idx.msk [tilespmem:v12+s3+$0x0], $0xffff  }
0x3b: {  	[tilespmem:s17+$0xFFFFFF80] =	vst v15;
	v4 =	vld.idx.msk [tilespmem:v13+s3+$0x0], $0xffff  }
0x3c: {  	p0 =	por p1, p1;
	s18 =	simm.s32 $0x0;
	s19 =	sadd.s32 $0x100, s19;
	[tilespmem:s17+$0x0] =	vst v8;
	v5 =	vld.idx.msk [tilespmem:v14+s3+$0x0], $0xffff  }
.LBB2_4:
0x3d: {  	v6 =	vld [tilespmem:s19+$0x70];
	s18 =	sadd.s32 $0x10, s18;
	[tilespmem:s17+$0x10] =	vst v0  }
0x3e: {  	v0 =	vld [tilespmem:s19+$0xFFFFFF90];
	p1 =	slt.u32 s18, $0x1F0;
	[tilespmem:s17+$0x20] =	vst v1  }
0x3f: {  	v1 =	vld [tilespmem:s19+$0xFFFFFFA0];
	[tilespmem:s17+$0x30] =	vst v2  }
0x40: {  	v2 =	vld [tilespmem:s19+$0xFFFFFFB0];
	[tilespmem:s17+$0x40] =	vst v3  }
0x41: {  	v3 =	vld [tilespmem:s19+$0xFFFFFFC0];
	[tilespmem:s17+$0x50] =	vst v4  }
0x42: {  	v4 =	vld [tilespmem:s19+$0xFFFFFFD0];
	[tilespmem:s17+$0x60] =	vst v5  }
0x43: {  	v5 =	vld [tilespmem:s19+$0xFFFFFFE0]  }
0x44: {  	v7 =	vld [tilespmem:s19+$0xFFFFFFF0]  }
0x45: {  	v6 =	vld.idx.msk [tilespmem:v6+s3+$0x0], $0xffff  }
0x46: {  	v8 =	vld [tilespmem:s19+$0x0]  }
0x47: {  	v9 =	vld [tilespmem:s19+$0x10]  }
0x48: {  	v10 =	vld [tilespmem:s19+$0x20]  }
0x49: {  	v11 =	vld [tilespmem:s19+$0x30]  }
0x4a: {  	s17 =	sadd.s32 $0x100, s17;
	v12 =	vld [tilespmem:s19+$0x40]  }
0x4b: {  	v13 =	vld [tilespmem:s19+$0x50];
	[tilespmem:s17+$0x70] =	vst v6  }
0x4c: {  	v6 =	vld [tilespmem:s19+$0x60]  }
0x4d: {  	v14 =	vld [tilespmem:s19+$0xFFFFFF80]  }
0x4e: {  	v0 =	vld.idx.msk [tilespmem:v0+s3+$0x0], $0xffff  }
0x4f: {  	v1 =	vld.idx.msk [tilespmem:v1+s3+$0x0], $0xffff  }
0x50: {  	v2 =	vld.idx.msk [tilespmem:v2+s3+$0x0], $0xffff  }
0x51: {  	v3 =	vld.idx.msk [tilespmem:v3+s3+$0x0], $0xffff  }
0x52: {  	v4 =	vld.idx.msk [tilespmem:v4+s3+$0x0], $0xffff  }
0x53: {  	v5 =	vld.idx.msk [tilespmem:v5+s3+$0x0], $0xffff  }
0x54: {  	[tilespmem:s17+$0xFFFFFF90] =	vst v0;
	v7 =	vld.idx.msk [tilespmem:v7+s3+$0x0], $0xffff  }
0x55: {  	v14 =	vld.idx.msk [tilespmem:v14+s3+$0x0], $0xffff;
	[tilespmem:s17+$0xFFFFFFA0] =	vst v1  }
0x56: {  	[tilespmem:s17+$0xFFFFFFB0] =	vst v2;
	v8 =	vld.idx.msk [tilespmem:v8+s3+$0x0], $0xffff  }
0x57: {  	[tilespmem:s17+$0xFFFFFFC0] =	vst v3;
	v0 =	vld.idx.msk [tilespmem:v9+s3+$0x0], $0xffff  }
.Ltmp0:
0x58: {  	[tilespmem:s17+$0xFFFFFFD0] =	vst v4;
	v1 =	vld.idx.msk [tilespmem:v10+s3+$0x0], $0xffff;
	(pc) =	sbr.rel @p1 .LBB2_4-.Ltmp0, $4  }
0x59: {  	[tilespmem:s17+$0xFFFFFFE0] =	vst v5;
	v2 =	vld.idx.msk [tilespmem:v11+s3+$0x0], $0xffff  }
0x5a: {  	[tilespmem:s17+$0xFFFFFFF0] =	vst v7;
	v3 =	vld.idx.msk [tilespmem:v12+s3+$0x0], $0xffff  }
0x5b: {  	[tilespmem:s17+$0xFFFFFF80] =	vst v14;
	v4 =	vld.idx.msk [tilespmem:v13+s3+$0x0], $0xffff  }
0x5c: {  	s19 =	sadd.s32 $0x100, s19;
	[tilespmem:s17+$0x0] =	vst v8;
	v5 =	vld.idx.msk [tilespmem:v6+s3+$0x0], $0xffff  }
0x5d: {  	[tilespmem:s17+$0x10] =	vst v0  }
0x5e: {  	[tilespmem:s17+$0x20] =	vst v1  }
0x5f: {  	[tilespmem:s17+$0x30] =	vst v2  }
0x60: {  	[tilespmem:s17+$0x40] =	vst v3  }
0x61: {  	[tilespmem:s17+$0x50] =	vst v4  }
0x62: {  	s16 =	sadd.s32 s16, s15;
	[tilespmem:s17+$0x60] =	vst v5  }
0x63: {  	[hbm4b:s16+s9] =	stream.strided.scatter [tilespmem:s11], [sflag:$0x1], $0x2000, s10, s9, $0x38;
	[tilespmem:$0x1E6A0] =	vst v63  }
.Ltmp1:
0x64: {  	_ = 	snop;
	(pc) =	sbr.rel @p0 .LBB2_3-.Ltmp1, $4  }
0x65: {  	s16 =	simm.s32 $0x1  }
0x66: {  	_ =	swait.ge [sflag:s16], $0x2000  }
0x67: {  	[sflag:s16] =	ssyncset.done $0x0  }
0x68: {  	p1 =	por $0x0, $0x0;
	[sflag:s16] =	ssyncadd.s32 $0xFFFFE000  }
0x69: {  	s13 =	sadd.s32 $0x1, s13  }
0x6a: {  	p0 =	sne.s32 s13, $0x1A  }
.Ltmp2:
0x6b: {  	_ = 	snop;
	(pc) =	sbr.rel @p0 .LBB2_2-.Ltmp2, $1  }
0x6c: {  	_ =	sdelay $0x3  }
0x6d: {  	s12 =	sadd.s32 $0x1, s12  }
0x6e: {  	p0 =	sne.s32 s12, s7  }
.Ltmp3:
0x6f: {  	_ = 	snop;
	(pc) =	sbr.rel @p0 .LBB2_1-.Ltmp3, $1  }
0x70: {  	_ =	sdelay $0x3  }
0x71: {  	_ =	sfence.sel $0x180000  }
0x72: {  	[bflag:$0x0] =	sbarrier.arrive $0xFFFF  }
0x73: {  	p0 =	sne.s32 s2, $0x0;
	_ =	strace $0x90000047  }
0x74: {  	s0 =	sadd.s32 @!p0 $0x100000, s0;
	[bflag:$0x2] =	sbarrier.arrive $0xFFFF  }
0x75: {  	[sflag:s0] =	ssyncadd.tile.s32 @!p0 $0x1;
	_ =	shalt  }
.Lfunc_end2:
_tile_overlayer_lowered:
.L_overlay_start_2:
0x76: {  	(tag) =	ssettag $0x2  }
0x77: {  	s0 =	rddreg [dreg:$0x0];
	s2 =	stileid.u32  }
0x78: {  	s1 =	rddreg [dreg:$0x1];
	p0 =	sne.s32 s2, $0x0  }
0x79: {  	s3 =	rddreg [dreg:$0x2];
	[bflag:$0x3] =	sbarrier.arrive $0xFFFF;
	s2 =	simm.s32 @!p0 $0x1C01  }
0x7a: {  	[timem:s3], [sflag:s2] =	dma.local @!p0 [hbm:s0], s1  }
0x7b: {  	s0 =	simm.s32 @!p0 $0x1  }
0x7c: {  	_ =	swait.ge @!p0 [sflag:s0], s1  }
0x7d: {  	s1 =	ssub.s32 @!p0 $0x0, s1;
	[sflag:s0] =	ssyncset.done @!p0 $0x0  }
0x7e: {  	[sflag:s0] =	ssyncadd.s32 @!p0 s1  }
0x7f: {  	[bflag:$0x3] =	sbarrier.arrive $0xFFFF  }
0x80: {  	_ =	shalt  }

</sc_bundles>
